<compile_context>
chip_gen: v7x
topology: tpu7x:2x2x1
jax: 0.10.2.dev20260603
libtpu: 0.0.44.dev20260713+nightly
codegen_flags: <defaults>
</compile_context>

<pallas_src>
import functools

import jax
import jax.numpy as jnp
from jax import lax
from jax.experimental import pallas as pl
from jax.experimental.pallas import tpu as pltpu
from jax.experimental.pallas import tpu_sc as plsc

N, D = 32768, 512
B, L = 16, 4096

NC, NS, LANES = 2, 16, 16
NW = NC * NS
ROWS_PER_W = L // NW

BN = 4096


def _matvec_body(x_ref, wt_ref, b_ref, o_ref):
    o_ref[...] = jnp.sum(x_ref[...] * wt_ref[...], axis=1) + b_ref[0]


def _matvec(X, W, b):
    return pl.pallas_call(
        _matvec_body,
        grid=(N // BN,),
        in_specs=[
            pl.BlockSpec((BN, D), lambda i: (i, 0)),
            pl.BlockSpec((1, D), lambda i: (0, 0)),
            pl.BlockSpec(memory_space=pltpu.SMEM),
        ],
        out_specs=pl.BlockSpec((BN,), lambda i: (i,)),
        out_shape=jax.ShapeDtypeStruct((N,), jnp.float32),
    )(X, W.reshape(1, D), b)


def _bag_max_body(logits_hbm, bags_hbm, out_hbm, logits_v, idx_v, part_v,
                  sem0, sem1):
    c = lax.axis_index("c")
    s = lax.axis_index("s")
    wid = s * NC + c

    cp_log = pltpu.async_copy(logits_hbm, logits_v, sem0)
    cp_idx = pltpu.async_copy(
        bags_hbm.at[:, pl.ds(wid * ROWS_PER_W, ROWS_PER_W)], idx_v, sem1)
    cp_idx.wait()
    cp_log.wait()

    UN = 4
    rows = lax.iota(jnp.int32, LANES)

    def body(j, acc):
        for u in range(UN):
            col = jnp.full((LANES,), j * UN + u, jnp.int32)
            idx = plsc.load_gather(idx_v, [rows, col])
            vals = plsc.load_gather(logits_v, [idx])
            acc = jnp.maximum(acc, vals)
        return acc

    acc = lax.fori_loop(0, ROWS_PER_W // UN, body,
                        jnp.full((LANES,), -jnp.inf, jnp.float32))

    part_v[...] = acc
    pltpu.sync_copy(part_v, out_hbm.at[wid])


_bag_max = functools.partial(
    pl.kernel,
    out_type=jax.ShapeDtypeStruct((NW, LANES), jnp.float32),
    mesh=plsc.VectorSubcoreMesh(
        core_axis_name="c", subcore_axis_name="s",
        num_cores=NC, num_subcores=NS),
    compiler_params=pltpu.CompilerParams(needs_layout_passes=False),
    scratch_types=[
        pltpu.VMEM((N,), jnp.float32),
        pltpu.VMEM((B, ROWS_PER_W), jnp.int32),
        pltpu.VMEM((LANES,), jnp.float32),
        pltpu.SemaphoreType.DMA,
        pltpu.SemaphoreType.DMA,
    ],
)(_bag_max_body)


def kernel(X, bags, bags_mask, W, b):
    logits = _matvec(X, W, b)
    per_core = _bag_max(logits, bags)
    m = jnp.max(per_core, axis=0).reshape(B, 1)
    p = jax.nn.sigmoid(m)
    return jnp.log(jnp.concatenate([1.0 - p, p], axis=1))

# --- scband reference (transcript-rebuilt; emitter-appended) ---
"""Pipeline reference for scband-milr-15436112462220 (READ-ONLY COPY).

The authoritative reference and input builder live on the scoring server;
editing this copy changes nothing except your own understanding.
"""

import jax, jax.numpy as jnp
import numpy as np

N, D = 32768, 512
B, L = 16, 4096

def setup_inputs(seed: int = 0) -> dict:
    key = jax.random.key(seed)
    k1, k2, k3 = jax.random.split(key, 3)
    X = jax.random.normal(k1, (N, D), dtype=jnp.float32)
    bags = jax.random.randint(k2, (B, L), 0, N, dtype=jnp.int64 if jax.config.jax_enable_x64 else jnp.int32).astype(jnp.int32)
    bags_mask = jnp.ones((B, L), dtype=bool)
    W = jax.random.normal(k3, (D, 1), dtype=jnp.float32) * 0.02
    b = jnp.zeros((1,), dtype=jnp.float32)
    return {"X": X, "bags": bags, "bags_mask": bags_mask, "W": W, "b": b}

def reference(X, bags, bags_mask, W, b):
    # MILR forward with bag_fn='max' (mask is unused for max, matching torch code)
    logits = X @ W + b                      # [N, 1], self.linear(X)
    instance_probs = jax.nn.sigmoid(logits) # invlogit -> [N, 1]
    bagged = jnp.take(instance_probs, bags, axis=0)  # [B, L, 1] gather
    bagged = jnp.squeeze(bagged, axis=-1)            # [B, L]
    bag_probs = jnp.max(bagged, axis=1, keepdims=True)  # amax dim=1 keepdim
    bag_probs2 = jnp.concatenate([1.0 - bag_probs, bag_probs], axis=1)  # [B, 2]
    bag_log_probs = jnp.log(bag_probs2)
    return bag_log_probs

if __name__ == "__main__":
    import jax
    _d = setup_inputs()
    print(jax.jit(kernel)(*tuple(_d.values())))

</pallas_src>

<mosaic_0001>
#map = affine_map<(d0, d1) -> (0)>
#map1 = affine_map<(d0, d1) -> (0, 0)>
module attributes {stable_mosaic.version = 14 : i64} {
  func.func @_bag_max_body(%arg0: i32, %arg1: i32, %arg2: memref<32768xf32, #tpu.memory_space<hbm>>, %arg3: memref<16x4096xi32, #tpu.memory_space<hbm>>, %arg4: memref<32x16xf32, #tpu.memory_space<hbm>>, %arg5: memref<32768xf32, #tpu.memory_space<vmem>>, %arg6: memref<16x128xi32, #tpu.memory_space<vmem>>, %arg7: memref<16xf32, #tpu.memory_space<vmem>>, %arg8: memref<!tpu.dma_semaphore, #tpu.memory_space<semaphore_mem>>, %arg9: memref<!tpu.dma_semaphore, #tpu.memory_space<semaphore_mem>>) attributes {dimension_semantics = [#tpu.dimension_semantics<core_parallel>, #tpu.dimension_semantics<subcore_parallel>], iteration_bounds = array<i64: 2, 16>, scalar_prefetch = 0 : i64, scratch_operands = 5 : i64, tpu.core_type = #tpu.core_type<sc_vector_subcore>, window_params = [{transform_indices = #map}, {transform_indices = #map1}, {transform_indices = #map1}]} {
    %mul3A = arith.constant 2 : i32
    %mul3A_0 = arith.muli %arg1, %mul3A : i32
    %add3A = arith.addi %mul3A_0, %arg0 : i32
    tpu.enqueue_dma source(%arg2 : memref<32768xf32, #tpu.memory_space<hbm>>) target(%arg5 : memref<32768xf32, #tpu.memory_space<vmem>>) target_semaphore(%arg8 : memref<!tpu.dma_semaphore, #tpu.memory_space<semaphore_mem>>)
    %mul3A_1 = arith.constant 128 : i32
    %mul3A_2 = arith.muli %add3A, %mul3A_1 : i32
    %dma_start3A = arith.constant 0 : i32
    %dma_start3A_3 = tpu.memref_slice %arg3[%dma_start3A, %mul3A_2] : memref<16x4096xi32, #tpu.memory_space<hbm>> -> memref<16x128xi32, #tpu.memory_space<hbm>>
    %dma_start3A_4 = arith.constant 0 : i32
    %dma_start3A_5 = tpu.memref_slice %arg3[%dma_start3A_4, %mul3A_2] : memref<16x4096xi32, #tpu.memory_space<hbm>> -> memref<16x128xi32, #tpu.memory_space<hbm>>
    tpu.enqueue_dma source(%dma_start3A_5 : memref<16x128xi32, #tpu.memory_space<hbm>>) target(%arg6 : memref<16x128xi32, #tpu.memory_space<vmem>>) target_semaphore(%arg9 : memref<!tpu.dma_semaphore, #tpu.memory_space<semaphore_mem>>)
    %dma_wait3A = arith.constant 0 : i32
    %dma_wait3A_6 = tpu.memref_slice %arg3[%dma_wait3A, %mul3A_2] : memref<16x4096xi32, #tpu.memory_space<hbm>> -> memref<16x128xi32, #tpu.memory_space<hbm>>
    %dma_wait3A_7 = arith.constant 0 : i32
    %dma_wait3A_8 = tpu.memref_slice %arg3[%dma_wait3A_7, %mul3A_2] : memref<16x4096xi32, #tpu.memory_space<hbm>> -> memref<16x128xi32, #tpu.memory_space<hbm>>
    tpu.wait_dma2 semaphore(%arg9 : memref<!tpu.dma_semaphore, #tpu.memory_space<semaphore_mem>>) src(%dma_wait3A_8 : memref<16x128xi32, #tpu.memory_space<hbm>>) dst(%arg6 : memref<16x128xi32, #tpu.memory_space<vmem>>)
    tpu.wait_dma2 semaphore(%arg8 : memref<!tpu.dma_semaphore, #tpu.memory_space<semaphore_mem>>) src(%arg2 : memref<32768xf32, #tpu.memory_space<hbm>>) dst(%arg5 : memref<32768xf32, #tpu.memory_space<vmem>>)
    %iota3A = tpu.iota {dimensions = array<i32: 0>} : vector<16xi32>
    %broadcast_in_dim3A = arith.constant 0xFF800000 : f32
    %broadcast_in_dim3A_9 = vector.broadcast %broadcast_in_dim3A : f32 to vector<16xf32>
    %scan3A = arith.constant 0 : i32
    %scan3A_10 = arith.constant 32 : i32
    %scan3A_11 = arith.addi %scan3A, %scan3A_10 : i32
    %scan3A_12 = arith.constant 1 : i32
    %scan3A_13 = scf.for %scan3A_16 = %scan3A to %scan3A_11 step %scan3A_12 iter_args(%scan3A_17 = %broadcast_in_dim3A_9) -> (vector<16xf32>)  : i32 {
      %mul3A_18 = arith.constant 4 : i32
      %mul3A_19 = arith.muli %scan3A_16, %mul3A_18 : i32
      %add3A_20 = arith.constant 0 : i32
      %add3A_21 = arith.addi %mul3A_19, %add3A_20 : i32
      %broadcast_in_dim3A_22 = vector.broadcast %add3A_21 : i32 to vector<16xi32>
      %gather3A = tpu.vector_load_idx %arg6[%iota3A, %broadcast_in_dim3A_22] : memref<16x128xi32, #tpu.memory_space<vmem>>[vector<16xi32>, vector<16xi32>], vector<16xi32>,
      %gather3A_23 = tpu.vector_load_idx %arg5[%gather3A] : memref<32768xf32, #tpu.memory_space<vmem>>[vector<16xi32>], vector<16xf32>,
      %max3A = arith.maximumf %scan3A_17, %gather3A_23 : vector<16xf32>
      %mul3A_24 = arith.constant 4 : i32
      %mul3A_25 = arith.muli %scan3A_16, %mul3A_24 : i32
      %add3A_26 = arith.constant 1 : i32
      %add3A_27 = arith.addi %mul3A_25, %add3A_26 : i32
      %broadcast_in_dim3A_28 = vector.broadcast %add3A_27 : i32 to vector<16xi32>
      %gather3A_29 = tpu.vector_load_idx %arg6[%iota3A, %broadcast_in_dim3A_28] : memref<16x128xi32, #tpu.memory_space<vmem>>[vector<16xi32>, vector<16xi32>], vector<16xi32>,
      %gather3A_30 = tpu.vector_load_idx %arg5[%gather3A_29] : memref<32768xf32, #tpu.memory_space<vmem>>[vector<16xi32>], vector<16xf32>,
      %max3A_31 = arith.maximumf %max3A, %gather3A_30 : vector<16xf32>
      %mul3A_32 = arith.constant 4 : i32
      %mul3A_33 = arith.muli %scan3A_16, %mul3A_32 : i32
      %add3A_34 = arith.constant 2 : i32
      %add3A_35 = arith.addi %mul3A_33, %add3A_34 : i32
      %broadcast_in_dim3A_36 = vector.broadcast %add3A_35 : i32 to vector<16xi32>
      %gather3A_37 = tpu.vector_load_idx %arg6[%iota3A, %broadcast_in_dim3A_36] : memref<16x128xi32, #tpu.memory_space<vmem>>[vector<16xi32>, vector<16xi32>], vector<16xi32>,
      %gather3A_38 = tpu.vector_load_idx %arg5[%gather3A_37] : memref<32768xf32, #tpu.memory_space<vmem>>[vector<16xi32>], vector<16xf32>,
      %max3A_39 = arith.maximumf %max3A_31, %gather3A_38 : vector<16xf32>
      %mul3A_40 = arith.constant 4 : i32
      %mul3A_41 = arith.muli %scan3A_16, %mul3A_40 : i32
      %add3A_42 = arith.constant 3 : i32
      %add3A_43 = arith.addi %mul3A_41, %add3A_42 : i32
      %broadcast_in_dim3A_44 = vector.broadcast %add3A_43 : i32 to vector<16xi32>
      %gather3A_45 = tpu.vector_load_idx %arg6[%iota3A, %broadcast_in_dim3A_44] : memref<16x128xi32, #tpu.memory_space<vmem>>[vector<16xi32>, vector<16xi32>], vector<16xi32>,
      %gather3A_46 = tpu.vector_load_idx %arg5[%gather3A_45] : memref<32768xf32, #tpu.memory_space<vmem>>[vector<16xi32>], vector<16xf32>,
      %max3A_47 = arith.maximumf %max3A_39, %gather3A_46 : vector<16xf32>
      scf.yield %max3A_47 : vector<16xf32>
    }
    %scan3A_14 = arith.constant 32 : i32
    %swap3A = arith.constant 0 : index
    %swap3A_15 = tpu.vector_load %arg7[%swap3A] {strides = array<i32>} : memref<16xf32, #tpu.memory_space<vmem>>, vector<16xf32>,
    tpu.vector_store %arg7[%swap3A], %scan3A_13 {strides = array<i32>} : memref<16xf32, #tpu.memory_space<vmem>>, vector<16xf32>,
    "tpu.region"() ({
      %run_scoped3A = tpu.sem_alloc : memref<!tpu.dma_semaphore, #tpu.memory_space<semaphore_mem>>
      %dma_start3A_16 = arith.constant 0 : i32
      %dma_start3A_17 = tpu.memref_slice %arg4[%add3A, %dma_start3A_16] : memref<32x16xf32, #tpu.memory_space<hbm>> -> memref<1x16xf32, #tpu.memory_space<hbm>>
      %dma_start3A_18 = tpu.memref_squeeze %dma_start3A_17 : memref<1x16xf32, #tpu.memory_space<hbm>> -> memref<16xf32, #tpu.memory_space<hbm>>
      %dma_start3A_19 = arith.constant 0 : i32
      %dma_start3A_20 = tpu.memref_slice %arg4[%add3A, %dma_start3A_19] : memref<32x16xf32, #tpu.memory_space<hbm>> -> memref<1x16xf32, #tpu.memory_space<hbm>>
      %dma_start3A_21 = tpu.memref_squeeze %dma_start3A_20 : memref<1x16xf32, #tpu.memory_space<hbm>> -> memref<16xf32, #tpu.memory_space<hbm>>
      tpu.enqueue_dma source(%arg7 : memref<16xf32, #tpu.memory_space<vmem>>) target(%dma_start3A_21 : memref<16xf32, #tpu.memory_space<hbm>>) target_semaphore(%run_scoped3A : memref<!tpu.dma_semaphore, #tpu.memory_space<semaphore_mem>>)
      %dma_wait3A_22 = arith.constant 0 : i32
      %dma_wait3A_23 = tpu.memref_slice %arg4[%add3A, %dma_wait3A_22] : memref<32x16xf32, #tpu.memory_space<hbm>> -> memref<1x16xf32, #tpu.memory_space<hbm>>
      %dma_wait3A_24 = tpu.memref_squeeze %dma_wait3A_23 : memref<1x16xf32, #tpu.memory_space<hbm>> -> memref<16xf32, #tpu.memory_space<hbm>>
      %dma_wait3A_25 = arith.constant 0 : i32
      %dma_wait3A_26 = tpu.memref_slice %arg4[%add3A, %dma_wait3A_25] : memref<32x16xf32, #tpu.memory_space<hbm>> -> memref<1x16xf32, #tpu.memory_space<hbm>>
      %dma_wait3A_27 = tpu.memref_squeeze %dma_wait3A_26 : memref<1x16xf32, #tpu.memory_space<hbm>> -> memref<16xf32, #tpu.memory_space<hbm>>
      tpu.wait_dma2 semaphore(%run_scoped3A : memref<!tpu.dma_semaphore, #tpu.memory_space<semaphore_mem>>) src(%arg7 : memref<16xf32, #tpu.memory_space<vmem>>) dst(%dma_wait3A_27 : memref<16xf32, #tpu.memory_space<hbm>>)
      tpu.yield
    }) : () -> ()
    return
  }
}

module attributes {stable_mosaic.version = 14 : i64} {
  func.func @_matvec_body(%arg0: i32, %arg1: memref<4096x512xf32, #tpu.memory_space<vmem>>, %arg2: memref<1x512xf32, #tpu.memory_space<vmem>>, %arg3: memref<1xf32, #tpu.memory_space<smem>>, %arg4: memref<4096xf32, #tpu.memory_space<vmem>>) attributes {dimension_semantics = [#tpu.dimension_semantics<arbitrary>], iteration_bounds = array<i64: 8>, scalar_prefetch = 0 : i64, scratch_operands = 0 : i64, tpu.core_type = #tpu.core_type<tc>, window_params = [{transform_indices = @transform_0, window_bounds = array<i64: 4096, 512>}, {pipeline_mode = #tpu.pipeline_mode<synchronous>, transform_indices = @transform_1, window_bounds = array<i64: 1, 512>}, {transform_indices = @transform_2, window_bounds = array<i64: 1>}, {transform_indices = @transform_3, window_bounds = array<i64: 4096>}]} {
    %get3A = arith.constant 0 : index
    %get3A_0 = arith.constant 0 : index
    %get3A_1 = vector.load %arg1[%get3A, %get3A_0] : memref<4096x512xf32, #tpu.memory_space<vmem>>, vector<4096x512xf32>
    %get3A_2 = arith.constant 0 : index
    %get3A_3 = arith.constant 0 : index
    %get3A_4 = vector.load %arg2[%get3A_2, %get3A_3] : memref<1x512xf32, #tpu.memory_space<vmem>>, vector<1x512xf32>
    %mul3A = vector.broadcast %get3A_4 : vector<1x512xf32> to vector<4096x512xf32>
    %mul3A_5 = arith.mulf %get3A_1, %mul3A : vector<4096x512xf32>
    %reduce_sum3A = arith.constant dense<0.000000e+00> : vector<4096xf32>
    %reduce_sum3A_6 = vector.multi_reduction <add>, %mul3A_5, %reduce_sum3A [1] : vector<4096x512xf32> to vector<4096xf32>
    %get3A_7 = arith.constant 0 : index
    %get3A_8 = memref.load %arg3[%get3A_7] : memref<1xf32, #tpu.memory_space<smem>>
    %add3A = vector.broadcast %get3A_8 : f32 to vector<4096xf32>
    %add3A_9 = arith.addf %reduce_sum3A_6, %add3A : vector<4096xf32>
    %swap3A = arith.constant 0 : index
    %swap3A_10 = vector.load %arg4[%swap3A] : memref<4096xf32, #tpu.memory_space<vmem>>, vector<4096xf32>
    tpu.vector_store %arg4[%swap3A], %add3A_9 {strides = array<i32>} : memref<4096xf32, #tpu.memory_space<vmem>>, vector<4096xf32>,
    return
  }
  func.func @transform_0(%arg0: i32) -> (i32, i32) {
    %c0_i32 = arith.constant 0 : i32
    %c0_i32_0 = arith.constant 0 : i32
    return %arg0, %c0_i32 : i32, i32
  }
  func.func @transform_1(%arg0: i32) -> (i32, i32) {
    %c0_i32 = arith.constant 0 : i32
    %c0_i32_0 = arith.constant 0 : i32
    %c0_i32_1 = arith.constant 0 : i32
    return %c0_i32, %c0_i32_0 : i32, i32
  }
  func.func @transform_2(%arg0: i32) -> i32 {
    %c0_i32 = arith.constant 0 : i32
    %c0_i32_0 = arith.constant 0 : i32
    return %c0_i32 : i32
  }
  func.func @transform_3(%arg0: i32) -> i32 {
    %c0_i32 = arith.constant 0 : i32
    return %arg0 : i32
  }
}

</mosaic_0001>

<sc_bundles>
// kernel: kernel.4.cloned.1.call-start
scs
__scs_entry_jumppad:
0x0: {  	(pc) =	sbr.rel $0x88, $3  }
0x1: {  	(tag) =	ssettag $0x0;
	lr =	simm.s32 $0x1  }
0x2: {  	[smem:$0x3F9D] =	sst lr;
	_ =	strace $0xD0000000  }
0x3: {  	_ = 	snop  }
0x4: {  	_ = 	snop  }
0x5: {  	_ = 	snop  }
0x6: {  	_ = 	snop  }
0x7: {  	_ = 	snop  }
__scs_overlays_trampoline_lowered:
0x8: {  	[smem:$0x3FAC] =	sst s0  }
0x9: {  	[smem:$0x3FAD] =	sst s1  }
0xa: {  	[smem:$0x3FAE] =	sst s2  }
0xb: {  	[smem:$0x3FAF] =	sst s3  }
0xc: {  	[smem:$0x3FB0] =	sst s4  }
0xd: {  	[smem:$0x3FB1] =	sst s5  }
0xe: {  	[smem:$0x3FB2] =	sst s6  }
0xf: {  	[smem:$0x3FB3] =	sst s7  }
0x10: {  	[smem:$0x3FB4] =	sst s8  }
0x11: {  	[smem:$0x3FB5] =	sst s9;
	s0 =	simm.s32 @!p0 $0x0  }
0x12: {  	s1 =	sld [smem:$0x3F9B];
	s0 =	simm.s32 @p0 $0x1  }
0x13: {  	[smem:$0x3FB6] =	sst s0;
	s0 =	simm.s32 @!p1 $0x0  }
0x14: {  	s2 =	sld [smem:$0x3F9A];
	s0 =	simm.s32 @p1 $0x1  }
0x15: {  	[smem:$0x3FB7] =	sst s0;
	s0 =	simm.s32 @!p2 $0x0  }
0x16: {  	s3 =	sld [smem:$0x3FDB];
	s0 =	simm.s32 @p2 $0x1  }
0x17: {  	s4 =	simm.s32 $0x1BF5;
	[smem:$0x3FB9] =	sst s0  }
0x18: {  	s0 =	sld [smem:$0x3F9C];
	_ =	swait.ge [sflag:s4], $0x0  }
0x19: {  	s7 =	sld [smem:$0x3F9D]  }
0x1a: {  	s8 =	sadd.s32 $0xFFFFE003, lr  }
0x1b: {  	s9 =	sadd.s32 $0xFFFFFEF7, lr;
	s5 =	simm.s32 $0xFFFFFFFF;
	p2 =	slt.u32 s8, $0xFFFFF086  }
0x1c: {  	p1 =	slt.u32 s9, $0xF7A;
	s5 =	simm.s32 @!p2 $0x0  }
0x1d: {  	s5 =	simm.s32 @p1 $0x1;
	p0 =	seq.s32 s7, s2  }
0x1e: {  	s7 =	smul.u32 @!p0 $0xF7A, s2;
	p2 =	seq.s32 @!p0 s5, $0x0  }
0x1f: {  	s9 =	smul.u32 $0xF7A, s1;
	s8 =	simm.s32 @!p0 $0x1BF5;
	p2 =	por !p2, p0  }
0x20: {  	[sflag:s8] =	ssyncset.s32 @!p0 $0xFFFFF086;
	s6 =	sadd.s32 @!p0 s3, s7;
	s7 =	simm.s32 @!p0 $0x108  }
0x21: {  	s3 =	sadd.s32 s3, s9;
	s6 =	sadd.s32 @!p0 $0x88, s6;
	s7 =	simm.s32 @p2 $0x1082  }
0x22: {  	[simem:s7], [sflag:s8] =	dma.local @!p0 [hbm:s6], $0xF7A  }
0x23: {  	s9 =	sor.u32 $0xD0000000, s2;
	s6 =	simm.s32 $0x108;
	_ =	swait.ge @!p0 [sflag:s8], $0x0  }
0x24: {  	s3 =	sadd.s32 $0x88, s3;
	s6 =	simm.s32 @!p1 $0x1082;
	[sflag:s4] =	ssyncset.s32 $0xFFFFF086  }
0x25: {  	[simem:s6], [sflag:s4] =	dma.local [hbm:s3], $0xF7A  }
0x26: {  	[smem:$0x3F9D] =	sst s1;
	(tag) =	ssettag s2;
	_ =	strace s9  }
0x27: {  	s1 =	sld [smem:$0x3FAD]  }
0x28: {  	s2 =	sld [smem:$0x3FAE]  }
0x29: {  	s4 =	sld [smem:$0x3FB0]  }
0x2a: {  	p0 =	seq.s32 s5, $0x0;
	s5 =	sld [smem:$0x3FB1]  }
0x2b: {  	s6 =	sld [smem:$0x3FB2]  }
0x2c: {  	s7 =	sld [smem:$0x3FB3]  }
0x2d: {  	s3 =	simm.s32 $0x108;
	s8 =	sld [smem:$0x3FB4]  }
0x2e: {  	s3 =	simm.s32 @!p0 $0x1082;
	s9 =	sld [smem:$0x3FB5]  }
0x2f: {  	lr =	sadd.s32 s0, s3;
	s0 =	sld [smem:$0x3FAC]  }
0x30: {  	s3 =	sld [smem:$0x3FAF]  }
0x31: {  	[smem:$0x3FB8] =	sst s10  }
0x32: {  	s10 =	sld [smem:$0x3FB6];
	_ =	sdelay $0x3  }
0x33: {  	p0 =	seq.s32 s10, $0x1;
	s10 =	sld [smem:$0x3FB8];
	_ =	sdelay $0x3  }
0x34: {  	[smem:$0x3FB8] =	sst s10  }
0x35: {  	s10 =	sld [smem:$0x3FB7];
	_ =	sdelay $0x3  }
0x36: {  	p1 =	seq.s32 s10, $0x1;
	s10 =	sld [smem:$0x3FB8];
	_ =	sdelay $0x3  }
0x37: {  	[smem:$0x3FB8] =	sst s10  }
0x38: {  	s10 =	sld [smem:$0x3FB9]  }
0x39: {  	_ = 	snop;
	(pc) =	sbr.ind lr, $3  }
0x3a: {  	_ = 	snop  }
0x3b: {  	_ = 	snop  }
0x3c: {  	p2 =	seq.s32 s10, $0x1;
	s10 =	sld [smem:$0x3FB8]  }
0x3d: {  	_ =	shalt  }
0x3e: {  	_ =	shalt  }
0x3f: {  	_ =	shalt  }
0x40: {  	_ =	shalt  }
0x41: {  	_ =	shalt  }
0x42: {  	_ =	shalt  }
0x43: {  	_ =	shalt  }
0x44: {  	_ =	shalt  }
0x45: {  	_ =	shalt  }
0x46: {  	_ =	shalt  }
0x47: {  	_ =	shalt  }
0x48: {  	_ =	shalt  }
0x49: {  	_ =	shalt  }
0x4a: {  	_ =	shalt  }
0x4b: {  	_ =	shalt  }
0x4c: {  	_ =	shalt  }
0x4d: {  	_ =	shalt  }
0x4e: {  	_ =	shalt  }
0x4f: {  	_ =	shalt  }
0x50: {  	_ =	shalt  }
0x51: {  	_ =	shalt  }
0x52: {  	_ =	shalt  }
0x53: {  	_ =	shalt  }
0x54: {  	_ =	shalt  }
0x55: {  	_ =	shalt  }
0x56: {  	_ =	shalt  }
0x57: {  	_ =	shalt  }
0x58: {  	_ =	shalt  }
0x59: {  	_ =	shalt  }
0x5a: {  	_ =	shalt  }
0x5b: {  	_ =	shalt  }
0x5c: {  	_ =	shalt  }
0x5d: {  	_ =	shalt  }
0x5e: {  	_ =	shalt  }
0x5f: {  	_ =	shalt  }
0x60: {  	_ =	shalt  }
0x61: {  	_ =	shalt  }
0x62: {  	_ =	shalt  }
0x63: {  	_ =	shalt  }
0x64: {  	_ =	shalt  }
0x65: {  	_ =	shalt  }
0x66: {  	_ =	shalt  }
0x67: {  	_ =	shalt  }
0x68: {  	_ =	shalt  }
0x69: {  	_ =	shalt  }
0x6a: {  	_ =	shalt  }
0x6b: {  	_ =	shalt  }
0x6c: {  	_ =	shalt  }
0x6d: {  	_ =	shalt  }
0x6e: {  	_ =	shalt  }
0x6f: {  	_ =	shalt  }
0x70: {  	_ =	shalt  }
0x71: {  	_ =	shalt  }
0x72: {  	_ =	shalt  }
0x73: {  	_ =	shalt  }
0x74: {  	_ =	shalt  }
0x75: {  	_ =	shalt  }
0x76: {  	_ =	shalt  }
0x77: {  	_ =	shalt  }
0x78: {  	_ =	shalt  }
0x79: {  	_ =	shalt  }
0x7a: {  	_ =	shalt  }
0x7b: {  	_ =	shalt  }
0x7c: {  	_ =	shalt  }
0x7d: {  	_ =	shalt  }
0x7e: {  	_ =	shalt  }
0x7f: {  	_ =	shalt  }
0x80: {  	_ =	shalt  }
0x81: {  	_ =	shalt  }
0x82: {  	_ =	shalt  }
0x83: {  	_ =	shalt  }
0x84: {  	_ =	shalt  }
0x85: {  	_ =	shalt  }
0x86: {  	_ =	shalt  }
0x87: {  	_ =	shalt  }
.Lfunc_end0:
.L_simem_size_0:
called_computation_lowered:
.L_overlay_start_0:
0x88: {  	s2 =	sld [smem:$0x3FD9]  }
0x89: {  	s3 =	sld [smem:$0x3FFE];
	_ =	sdelay $0x1  }
0x8a: {  	s1 =	srdreg.scid  }
0x8b: {  	s0 =	sand.u32 $0x1, s1  }
0x8c: {  	s17 =	sshll.u32 s0, $0xA;
	s2 =	sadd.s32 s3, s2  }
0x8d: {  	s2 =	sadd.s32 s2, s17  }
0x8e: {  	[smem:$0x3FC4] =	sst s2  }
0x8f: {  	_ = 	snop  }
0x90: {  	s2 =	sld [smem:$0x3FC8];
	(tm) =	ssettm $0x1  }
0x91: {  	s18 =	sld [smem:$0x3FFB];
	_ =	sdelay $0x3  }
0x92: {  	_ =	strace s18  }
0x93: {  	s3 =	sld [smem:$0x3FFC];
	_ =	sdelay $0x3  }
0x94: {  	_ =	strace s3  }
0x95: {  	s3 =	sld [smem:$0x3FFD];
	_ =	sdelay $0x3  }
0x96: {  	_ =	strace s3  }
0x97: {  	_ =	strace $0x8FFFFFFF  }
0x98: {  	s19 =	sld [smem:$0x3FDB];
	_ =	sdelay $0x1  }
0x99: {  	s4 =	simm.s32 $_scs_section_size  }
0x9a: {  	s5 =	simm.s32 $_size__tile_overlayer_lowered;
	s6 =	simm.s32 $_tile_overlayer_lowered  }
0x9b: {  	s22 =	simm.s32 $0x1BFF;
	s21 =	sshll.u32 s6, $0x1;
	s3 =	sadd.s32 s4, s19  }
0x9c: {  	s7 =	simm.s32 $0x0;
	s20 =	sshll.u32 s5, $0x1;
	s5 =	sadd.s32 s21, s3  }
0x9d: {  	[timem:s7], [sflag:s22] =	dma.local [hbm:s5], s20  }
0x9e: {  	_ =	swait.ge [sflag:s22], s20  }
0x9f: {  	s4 =	ssub.s32 $0x0, s20;
	[sflag:s22] =	ssyncset.done $0x0  }
0xa0: {  	[sflag:s22] =	ssyncadd.s32 s4;
	_ =	sdelay $0x1  }
0xa1: {  	s23 =	simm.s32 $0x1B8B  }
0xa2: {  	_ =	swait.ge [sflag:s23], $0x1  }
0xa3: {  	[sflag:s23] =	ssyncset.done $0x0  }
0xa4: {  	s25 =	simm.s32 $0x1B8E;
	s24 =	sld [smem:$0x3FFE];
	[sflag:s23] =	ssyncadd.s32 $0xFFFFFFFF  }
0xa5: {  	s26 =	simm.s32 $execute0_lowered;
	[smem:$0x3FD2] =	sst s25  }
0xa6: {  	s5 =	sshll.u32 s26, $0x1;
	_ =	strace $0x80000046;
	[dreg:$0x1] =	wrdreg $0xFFFFFFFF  }
0xa7: {  	s28 =	simm.s32 $_size_execute0_lowered;
	s3 =	sadd.s32 s3, s5;
	[dreg:$0x0] =	wrdreg $0x0  }
0xa8: {  	s5 =	sshll.u32 s28, $0x1;
	[dreg:$0x2] =	wrdreg s3  }
0xa9: {  	[dreg:$0x3] =	wrdreg s5  }
0xaa: {  	[dreg:$0x4] =	wrdreg $0xC0  }
0xab: {  	_ =	task [dreg:s7], $0x5FFFF  }
0xac: {  	[dreg:$0x1] =	wrdreg $0xFFFFFFFF  }
0xad: {  	[dreg:$0x0] =	wrdreg $0x60  }
0xae: {  	[dreg:$0x2] =	wrdreg s24  }
0xaf: {  	[dreg:$0x3] =	wrdreg s2  }
0xb0: {  	[dreg:$0x4] =	wrdreg $0x9  }
0xb1: {  	_ =	task.clear_ibuf [dreg:s7], $0x5FFFF;
	_ =	strace $0x90000046  }
0xb2: {  	s29 =	simm.s32 $0x9;
	_ =	strace $0x80000048  }
0xb3: {  	_ =	swait.ge [sflag:s29], $0x1  }
0xb4: {  	[sflag:s29] =	ssyncadd.s32 $0xFFFFFFFF  }
0xb5: {  	_ =	strace $0x90000048  }
0xb6: {  	_ =	sfence  }
0xb7: {  	s30 =	sld [smem:$0x0];
	_ =	sdelay $0x2  }
0xb8: {  	s31 =	sshll.u32 s1, $0xD;
	s1 =	sshrl.u32 s1, $0x2  }
0xb9: {  	s3 =	sand.u32 $0x4000, s31;
	s1 =	sadd.s32 s1, s30  }
0xba: {  	s0 =	sor.u32 s3, s0;
	s1 =	sshll.u32 s1, $0x11  }
0xbb: {  	s0 =	sor.u32 s1, s0  }
0xbc: {  	s0 =	sadd.s32 $0x8F2B, s0  }
0xbd: {  	[sflag:s0] =	ssyncadd.remote.s32 $0x1  }
0xbe: {  	_ =	sfence.sel $0xFFFF  }
0xbf: {  	[dreg:$0x0] =	wrdreg $0xFFFFFFFF;
	(pc) =	sbr.abs _section_cstart, $3  }
0xc0: {  	[dreg:$0x1] =	wrdreg $0xFFFFFFFF  }
0xc1: {  	_ =	task.clear_ibuf [dreg:s7], $0x2FFFF;
	_ =	strace $0x9FFFFFFF  }
0xc2: {  	(tm) =	ssettm $0x7FFFFFFF  }
0xc3: {  	_ =	shalt  }
tec
execute0_lowered:
.L_overlay_start_1:
0x0: {  	(tag) =	ssettag $0x1  }
0x1: {  	s4 =	rddreg [dreg:$0x0]  }
0x2: {  	s5 =	rddreg [dreg:$0x1]  }
0x3: {  	s0 =	rddreg [dreg:$0x2];
	s3 =	srdreg.scid  }
0x4: {  	s2 =	simm.s32 $0x0;
	s1 =	stileid.u32;
	s10 =	simm.s32 $0x1  }
0x5: {  	s11 =	simm.s32 $0x8800;
	s12 =	simm.s32 $0x3;
	s13 =	simm.s32 $0x0  }
0x6: {  	s3 =	sand.u32 $0x1, s3;
	[smem:$0x7FF] =	sst s2;
	s6 =	sshll.u32 s1, $0x8  }
0x7: {  	s7 =	sshll.u32 s3, $0x7;
	_ =	strace $0x80000047;
	s31 =	ssub.s32 $0x2, s3  }
0x8: {  	s3 =	sadd.s32 $0x400, s4;
	s6 =	sor.u32 s7, s6;
	s9 =	sshrl.u32 s31, $0x1  }
0x9: {  	v0 =	vlaneseq.u32;
	s8 =	sshrl.u32 s6, $0x3;
	s7 =	ssub.s32 s31, s9;
	s9 =	simm.s32 $0x2  }
0xa: {  	v0 =	vmul.u32 $0x80, v0;
	s8 =	sadd.s32 s8, s4;
	s4 =	sadd.s32 s5, s6;
	s6 =	smax.u32 s7, $0x1  }
0xb: {  	s7 =	simm.s32 $0x400;
	s5 =	sadd.s32 $0x1400, s8;
	s8 =	simm.s32 $0x8000  }
.LBB2_1:
0xc: {  	s14 =	simm.s32 $0x3;
	s15 =	simm.s32 $0x1  }
0xd: {  	v1 =	vmov s2;
	[tilespmem:s2], [sflag:$0x1] =	stream.linear.gather [hbm4b:s3+s2], $0x8000, $0x38;
	[tilespmem:$0x8880] =	vst v63  }
0xe: {  	s16 =	simm.s32 $0x2;
	s19 =	simm.s32 $0x4;
	s20 =	simm.s32 $0x7;
	v2 =	vmov s14;
	v1 =	vand.u32 $0x7C, v1;
	v3 =	vmov s15  }
0xf: {  	s21 =	simm.s32 $0x6;
	s22 =	simm.s32 $0x5;
	v4 =	vmov s16;
	v5 =	vmov s19;
	v6 =	vmov s20  }
0x10: {  	v7 =	vmov s21;
	v1 =	vbroadcast v1, $0x0;
	[tilespmem:s8], [sflag:$0x2] =	stream.strided.gather [hbm4b:s4+s7], $0x800, s8, s7, $0x38;
	v3 =	vand.u32 $0x7D, v3;
	[tilespmem:$0x8880] =	vst v63  }
0x11: {  	v8 =	vmov s22;
	v4 =	vand.u32 $0x7E, v4;
	_ =	swait.ge [sflag:s9], $0x800;
	v3 =	vbroadcast v3, $0x0  }
0x12: {  	v2 =	vand.u32 $0x7F, v2;
	v4 =	vbroadcast v4, $0x0;
	v1 =	vor.u32 v0, v1;
	[sflag:s9] =	ssyncset.done $0x0  }
0x13: {  	v5 =	vand.u32 $0x7C, v5;
	v2 =	vbroadcast v2, $0x0;
	[sflag:s9] =	ssyncadd.s32 $0xFFFFF800;
	v3 =	vor.u32 v0, v3  }
0x14: {  	v6 =	vand.u32 $0x7F, v6;
	v5 =	vbroadcast v5, $0x0;
	v4 =	vor.u32 v0, v4;
	_ =	swait.ge [sflag:s10], $0x8000  }
0x15: {  	v7 =	vand.u32 $0x7E, v7;
	v6 =	vbroadcast v6, $0x0;
	v2 =	vor.u32 v0, v2;
	[sflag:s10] =	ssyncset.done $0x0  }
0x16: {  	v8 =	vand.u32 $0x7D, v8;
	v7 =	vbroadcast v7, $0x0;
	v5 =	vor.u32 v0, v5;
	[sflag:s10] =	ssyncadd.s32 $0xFFFF8000  }
0x17: {  	v6 =	vor.u32 v0, v6;
	v9 =	vld.idx.msk [tilespmem:v1+s8+$0x0], $0xffff;
	v1 =	vbroadcast v8, $0x0  }
0x18: {  	v8 =	vld.idx.msk [tilespmem:v3+s8+$0x0], $0xffff;
	v3 =	vor.u32 v0, v7  }
0x19: {  	s23 =	simm.s32 $0x8;
	v4 =	vld.idx.msk [tilespmem:v4+s8+$0x0], $0xffff;
	v7 =	vor.u32 v0, v1  }
0x1a: {  	s24 =	simm.s32 $0xB;
	v10 =	vld.idx.msk [tilespmem:v2+s8+$0x0], $0xffff;
	v1 =	vmov s23  }
0x1b: {  	s25 =	simm.s32 $0xA;
	v11 =	vmov s24;
	v2 =	vld.idx.msk [tilespmem:v5+s8+$0x0], $0xffff;
	v1 =	vand.u32 $0x7C, v1  }
0x1c: {  	s26 =	simm.s32 $0x9;
	v11 =	vand.u32 $0x7F, v11;
	v5 =	vmov s25;
	v12 =	vbroadcast v1, $0x0;
	v1 =	vld.idx.msk [tilespmem:v6+s8+$0x0], $0xffff  }
0x1d: {  	v11 =	vbroadcast v11, $0x0;
	v5 =	vand.u32 $0x7E, v5;
	v6 =	vmov s26;
	v3 =	vld.idx.msk [tilespmem:v3+s8+$0x0], $0xffff  }
0x1e: {  	v5 =	vbroadcast v5, $0x0;
	v6 =	vand.u32 $0x7D, v6;
	v12 =	vor.u32 v0, v12;
	v7 =	vld.idx.msk [tilespmem:v7+s8+$0x0], $0xffff  }
0x1f: {  	v11 =	vor.u32 v0, v11;
	v6 =	vbroadcast v6, $0x0;
	v14 =	vld.idx.msk [tilespmem:v9+s2+$0x0], $0xffff  }
0x20: {  	v9 =	vor.u32 v0, v5;
	v16 =	vld.idx.msk [tilespmem:v8+s2+$0x0], $0xffff  }
0x21: {  	s28 =	simm.s32 $0xC;
	s31 =	simm.s32 $0xE;
	v17 =	vor.u32 v0, v6;
	v4 =	vld.idx.msk [tilespmem:v4+s2+$0x0], $0xffff  }
0x22: {  	s29 =	simm.s32 $0xF;
	v15 =	vimm.f32 $-Inf;
	v18 =	vmov s31;
	v6 =	vmov s28;
	v5 =	vld.idx.msk [tilespmem:v10+s2+$0x0], $0xffff  }
0x23: {  	s30 =	simm.s32 $0xD;
	v13 =	vmov s29;
	v18 =	vand.u32 $0x7E, v18;
	v6 =	vand.u32 $0x7C, v6;
	v8 =	vld.idx.msk [tilespmem:v12+s8+$0x0], $0xffff  }
0x24: {  	v10 =	vmov s30;
	v19 =	vbroadcast v6, $0x0;
	v6 =	vld.idx.msk [tilespmem:v11+s8+$0x0], $0xffff;
	v12 =	vand.u32 $0x7F, v13  }
0x25: {  	v13 =	vand.u32 $0x7D, v10;
	v12 =	vbroadcast v12, $0x0;
	v9 =	vld.idx.msk [tilespmem:v9+s8+$0x0], $0xffff;
	v14 =	vmax.f32 v15, v14  }
0x26: {  	s14 =	simm.s32 $0x10;
	v11 =	vor.u32 v0, v19;
	v15 =	vbroadcast v18, $0x0;
	v10 =	vld.idx.msk [tilespmem:v17+s8+$0x0], $0xffff;
	v14 =	vmax.f32 v14, v16  }
.LBB2_2:
0x27: {  	p0 =	sne.s32 s14, $0x7C;
	v13 =	vbroadcast v13, $0x0;
	v12 =	vor.u32 v0, v12;
	v16 =	vld.idx.msk [tilespmem:v2+s2+$0x0], $0xffff;
	v4 =	vmax.f32 v14, v4  }
0x28: {  	v14 =	vor.u32 v0, v15;
	v17 =	vld.idx.msk [tilespmem:v7+s2+$0x0], $0xffff;
	v15 =	vmax.f32 v4, v5;
	v2 =	vmov v8  }
0x29: {  	s15 =	sadd.s32 $0x3, s14;
	v18 =	vor.u32 v0, v13;
	v4 =	vld.idx.msk [tilespmem:v3+s2+$0x0], $0xffff  }
.Ltmp0:
0x2a: {  	v20 =	vmov s14;
	s16 =	sadd.s32 $0x1, s14;
	s17 =	sadd.s32 $0x2, s14;
	v13 =	vmov s15;
	v5 =	vld.idx.msk [tilespmem:v1+s2+$0x0], $0xffff;
	v1 =	vmovc v6;
	v3 =	vmov v9;
	(pc) =	sbr.rel @p0 .LBB2_2-.Ltmp0, $4  }
0x2b: {  	v19 =	vmov s17;
	v6 =	vand.u32 $0x7C, v20;
	v9 =	vmov s16;
	v8 =	vld.idx.msk [tilespmem:v11+s8+$0x0], $0xffff;
	v7 =	vmovc v10  }
0x2c: {  	v19 =	vand.u32 $0x7E, v19;
	v10 =	vbroadcast v6, $0x0;
	v11 =	vand.u32 $0x7F, v13;
	v6 =	vld.idx.msk [tilespmem:v12+s8+$0x0], $0xffff  }
0x2d: {  	v13 =	vand.u32 $0x7D, v9;
	v12 =	vbroadcast v11, $0x0;
	v9 =	vld.idx.msk [tilespmem:v14+s8+$0x0], $0xffff;
	v14 =	vmax.f32 v15, v16  }
0x2e: {  	s14 =	sadd.s32 $0x4, s14;
	v11 =	vor.u32 v0, v10;
	v15 =	vbroadcast v19, $0x0;
	v10 =	vld.idx.msk [tilespmem:v18+s8+$0x0], $0xffff;
	v14 =	vmax.f32 v14, v17  }
0x2f: {  	_ =	sdelay $0x1  }
0x30: {  	v13 =	vbroadcast v13, $0x0;
	_ =	sdelay $0x1  }
0x31: {  	v2 =	vld.idx.msk [tilespmem:v2+s2+$0x0], $0xffff;
	v13 =	vor.u32 v0, v13  }
0x32: {  	v7 =	vld.idx.msk [tilespmem:v7+s2+$0x0], $0xffff;
	v15 =	vor.u32 v0, v15  }
0x33: {  	v12 =	vor.u32 v0, v12;
	v3 =	vld.idx.msk [tilespmem:v3+s2+$0x0], $0xffff  }
0x34: {  	v1 =	vld.idx.msk [tilespmem:v1+s2+$0x0], $0xffff  }
0x35: {  	v11 =	vld.idx.msk [tilespmem:v11+s8+$0x0], $0xffff  }
0x36: {  	v13 =	vld.idx.msk [tilespmem:v13+s8+$0x0], $0xffff  }
0x37: {  	v15 =	vld.idx.msk [tilespmem:v15+s8+$0x0], $0xffff  }
0x38: {  	v4 =	vmax.f32 v14, v4;
	v12 =	vld.idx.msk [tilespmem:v12+s8+$0x0], $0xffff  }
0x39: {  	v4 =	vmax.f32 v4, v5;
	v58 =	vld.idx.msk [tilespmem:v8+s2+$0x0], $0xffff  }
0x3a: {  	v59 =	vld.idx.msk [tilespmem:v10+s2+$0x0], $0xffff;
	v2 =	vmax.f32 v4, v2  }
0x3b: {  	v60 =	vld.idx.msk [tilespmem:v9+s2+$0x0], $0xffff;
	v2 =	vmax.f32 v2, v7  }
0x3c: {  	v2 =	vmax.f32 v2, v3;
	v3 =	vld.idx.msk [tilespmem:v6+s2+$0x0], $0xffff  }
0x3d: {  	v1 =	vmax.f32 v2, v1;
	v2 =	vld.idx.msk [tilespmem:v11+s2+$0x0], $0xffff  }
0x3e: {  	v1 =	vmax.f32 v1, v58;
	v61 =	vld.idx.msk [tilespmem:v13+s2+$0x0], $0xffff  }
0x3f: {  	v1 =	vmax.f32 v1, v59;
	v62 =	vld.idx.msk [tilespmem:v15+s2+$0x0], $0xffff  }
0x40: {  	v1 =	vmax.f32 v1, v60;
	v63 =	vld.idx.msk [tilespmem:v12+s2+$0x0], $0xffff  }
0x41: {  	v1 =	vmax.f32 v1, v3  }
0x42: {  	v1 =	vmax.f32 v1, v2  }
0x43: {  	v1 =	vmax.f32 v1, v61  }
0x44: {  	s13 =	sadd.s32 $0x1, s13;
	v1 =	vmax.f32 v1, v62  }
0x45: {  	p0 =	sne.s32 s13, s6;
	v1 =	vmax.f32 v1, v63  }
.Ltmp1:
0x46: {  	[tilespmem:$0x8800] =	vst v1;
	(pc) =	sbr.rel @p0 .LBB2_1-.Ltmp1, $4  }
0x47: {  	[hbm4b:s5+s2] =	stream.linear.scatter [tilespmem:s11], [sflag:$0x3], $0x80, $0x38;
	[tilespmem:$0x8880] =	vst v63  }
0x48: {  	_ =	swait.ge [sflag:s12], $0x80  }
0x49: {  	[sflag:s12] =	ssyncset.done $0x0  }
0x4a: {  	[sflag:s12] =	ssyncadd.s32 $0xFFFFFF80  }
0x4b: {  	_ =	sfence.sel $0x180000  }
0x4c: {  	[bflag:$0x0] =	sbarrier.arrive $0xFFFF  }
0x4d: {  	p0 =	sne.s32 s1, $0x0;
	_ =	strace $0x90000047  }
0x4e: {  	s0 =	sadd.s32 @!p0 $0x100000, s0;
	[bflag:$0x2] =	sbarrier.arrive $0xFFFF  }
0x4f: {  	[sflag:s0] =	ssyncadd.tile.s32 @!p0 $0x1;
	_ =	shalt  }
.Lfunc_end2:
_tile_overlayer_lowered:
.L_overlay_start_2:
0x50: {  	(tag) =	ssettag $0x2  }
0x51: {  	s0 =	rddreg [dreg:$0x0];
	s2 =	stileid.u32  }
0x52: {  	s1 =	rddreg [dreg:$0x1];
	p0 =	sne.s32 s2, $0x0  }
0x53: {  	s3 =	rddreg [dreg:$0x2];
	[bflag:$0x3] =	sbarrier.arrive $0xFFFF;
	s2 =	simm.s32 @!p0 $0x1C03  }
0x54: {  	[timem:s3], [sflag:s2] =	dma.local @!p0 [hbm:s0], s1  }
0x55: {  	s0 =	simm.s32 @!p0 $0x3  }
0x56: {  	_ =	swait.ge @!p0 [sflag:s0], s1  }
0x57: {  	s1 =	ssub.s32 @!p0 $0x0, s1;
	[sflag:s0] =	ssyncset.done @!p0 $0x0  }
0x58: {  	[sflag:s0] =	ssyncadd.s32 @!p0 s1  }
0x59: {  	[bflag:$0x3] =	sbarrier.arrive $0xFFFF  }
0x5a: {  	_ =	shalt  }

</sc_bundles>
